<compile_context>
chip_gen: v7x
topology: tpu7x:2x2x1
jax: 0.10.2.dev20260603
libtpu: 0.0.44.dev20260713+nightly
codegen_flags: <defaults>
</compile_context>

<pallas_src>
import functools
import math

import jax
import jax.numpy as jnp
from jax import lax
from jax.experimental import pallas as pl
from jax.experimental.pallas import tpu as pltpu
from jax.experimental.pallas import tpu_sc as plsc

V = 32000
PAD = 0
_S = 0.1 / (V - 2)
_C = 0.9
_D = (V - 1) * math.exp(_S) + math.exp(_C)
_A = math.exp(_S) / _D
_B = math.exp(_C) / _D
_C1 = (V - 1) * _A * math.log(_A) + _B * math.log(_B)
_LOGV = math.log(V)
_BA = _B - _A
_SHIFT = 30.0

ROWS = 2048
RB = 256
NBLK = ROWS // RB
NW = 32
GR = ROWS // NW


def _tc_body(x_ref, t_ref, g_ref, o_ref):
    i = pl.program_id(0)
    tgt = t_ref[0, 0, :].reshape(RB, 1)
    xt = g_ref[0, 0, :].reshape(RB, 1)
    se = jnp.sum(jnp.exp(x_ref[...] - _SHIFT), axis=1, keepdims=True)
    xs = jnp.sum(x_ref[...], axis=1, keepdims=True)
    logz = _SHIFT + jnp.log(se)
    s_row = xs - V * logz
    g = xt - logz
    contrib = jnp.where(
        tgt == PAD,
        -_LOGV - s_row * (1.0 / V),
        _C1 - _A * s_row - _BA * g,
    )
    part = jnp.sum(contrib, keepdims=True)

    @pl.when(i == 0)
    def _init():
        o_ref[...] = part

    @pl.when(i != 0)
    def _acc():
        o_ref[...] += part


_SC_MESH = plsc.VectorSubcoreMesh(core_axis_name="c", subcore_axis_name="s")


@functools.partial(
    pl.kernel,
    mesh=_SC_MESH,
    out_type=jax.ShapeDtypeStruct((ROWS,), jnp.float32),
    scratch_types=[
        pltpu.VMEM((GR,), jnp.int32),
        pltpu.VMEM((GR,), jnp.float32),
        pltpu.SemaphoreType.DMA,
    ],
    compiler_params=pltpu.CompilerParams(needs_layout_passes=False),
)
def _sc_gather(xflat, tgt_hbm, xt_hbm, tvec, xt_v, sem):
    wid = lax.axis_index("s") * 2 + lax.axis_index("c")
    base = wid * GR
    pltpu.sync_copy(tgt_hbm.at[pl.ds(base, GR)], tvec)
    for k in range(GR // 16):
        rows16 = lax.iota(jnp.int32, 16) + (base + k * 16)
        idx = rows16 * V + tvec[pl.ds(k * 16, 16)]
        pltpu.async_copy(xflat.at[idx], xt_v.at[pl.ds(k * 16, 16)], sem).wait()
    pltpu.sync_copy(xt_v, xt_hbm.at[pl.ds(base, GR)])


@functools.partial(jax.jit, static_argnames=())
def kernel(x, target, T):
    tgt32 = target.astype(jnp.int32)
    xt = _sc_gather(x.reshape(-1), tgt32)
    out = pl.pallas_call(
        _tc_body,
        grid=(NBLK,),
        in_specs=[
            pl.BlockSpec((RB, V), lambda i: (i, 0)),
            pl.BlockSpec((1, 1, RB), lambda i: (i, 0, 0)),
            pl.BlockSpec((1, 1, RB), lambda i: (i, 0, 0)),
        ],
        out_specs=pl.BlockSpec((1, 1), lambda i: (0, 0)),
        out_shape=jax.ShapeDtypeStruct((1, 1), jnp.float32),
        compiler_params=pltpu.CompilerParams(
            vmem_limit_bytes=100 * 1024 * 1024,
        ),
    )(x, tgt32.reshape(NBLK, 1, RB), xt.reshape(NBLK, 1, RB))
    return out[0, 0] * T * T

# --- scband reference (transcript-rebuilt; emitter-appended) ---
"""Pipeline reference for scband-label-smoothing-25434796327379 (READ-ONLY COPY).

The authoritative reference and input builder live on the scoring server;
editing this copy changes nothing except your own understanding.
"""

import jax, jax.numpy as jnp
import numpy as np

SIZE = 32000
PADDING_IDX = 0
SMOOTHING = 0.1
CONFIDENCE = 1.0 - SMOOTHING


def setup_inputs(seed: int = 0) -> dict:
    key = jax.random.key(seed)
    k1, k2 = jax.random.split(key)
    x = jax.random.normal(k1, (2048, SIZE), dtype=jnp.float32)
    target = jax.random.randint(k2, (2048,), 0, SIZE, dtype=jnp.int64 if jax.config.jax_enable_x64 else jnp.int32)
    return {"x": x, "target": target, "T": 4}


def reference(x, target, T):
    N, V = x.shape
    # true_dist = x.data.clone().fill_(smoothing / (size - 2))
    true_dist = jnp.full((N, V), SMOOTHING / (V - 2), dtype=x.dtype)
    # scatter_(1, target.unsqueeze(1), confidence)
    rows = jnp.arange(N)
    true_dist = true_dist.at[rows, target].set(CONFIDENCE)
    # index_fill_(0, nonzero(target == padding_idx), 0.0)
    pad_mask = (target == PADDING_IDX)
    true_dist = jnp.where(pad_mask[:, None], 0.0, true_dist)
    # softmax on true_dist, log_softmax on x
    t = jax.nn.softmax(true_dist, axis=-1)
    logp = jax.nn.log_softmax(x, axis=-1)
    # KLDivLoss(size_average=False): sum over all elements of t * (log t - logp)
    kl = jnp.sum(t * (jnp.log(t) - logp))
    return kl * T * T

if __name__ == "__main__":
    import jax
    _d = setup_inputs()
    print(jax.jit(kernel)(*tuple(_d.values())))

</pallas_src>

<mosaic_0001>
#map = affine_map<(d0, d1) -> (0)>
module attributes {stable_mosaic.version = 14 : i64} {
  func.func @_sc_gather(%arg0: i32, %arg1: i32, %arg2: memref<65536000xf32, #tpu.memory_space<hbm>>, %arg3: memref<2048xi32, #tpu.memory_space<hbm>>, %arg4: memref<2048xf32, #tpu.memory_space<hbm>>, %arg5: memref<64xi32, #tpu.memory_space<vmem>>, %arg6: memref<64xf32, #tpu.memory_space<vmem>>, %arg7: memref<!tpu.dma_semaphore, #tpu.memory_space<semaphore_mem>>) attributes {dimension_semantics = [#tpu.dimension_semantics<core_parallel>, #tpu.dimension_semantics<subcore_parallel>], iteration_bounds = array<i64: 2, 16>, scalar_prefetch = 0 : i64, scratch_operands = 3 : i64, tpu.core_type = #tpu.core_type<sc_vector_subcore>, window_params = [{transform_indices = #map}, {transform_indices = #map}, {transform_indices = #map}]} {
    %mul3A = arith.constant 2 : i32
    %mul3A_0 = arith.muli %arg1, %mul3A : i32
    %add3A = arith.addi %mul3A_0, %arg0 : i32
    %mul3A_1 = arith.constant 64 : i32
    %mul3A_2 = arith.muli %add3A, %mul3A_1 : i32
    "tpu.region"() ({
      %run_scoped3A = tpu.sem_alloc : memref<!tpu.dma_semaphore, #tpu.memory_space<semaphore_mem>>
      %dma_start3A_75 = tpu.memref_slice %arg3[%mul3A_2] : memref<2048xi32, #tpu.memory_space<hbm>> -> memref<64xi32, #tpu.memory_space<hbm>>
      %dma_start3A_76 = tpu.memref_slice %arg3[%mul3A_2] : memref<2048xi32, #tpu.memory_space<hbm>> -> memref<64xi32, #tpu.memory_space<hbm>>
      tpu.enqueue_dma source(%dma_start3A_76 : memref<64xi32, #tpu.memory_space<hbm>>) target(%arg5 : memref<64xi32, #tpu.memory_space<vmem>>) target_semaphore(%run_scoped3A : memref<!tpu.dma_semaphore, #tpu.memory_space<semaphore_mem>>)
      %dma_wait3A_77 = tpu.memref_slice %arg3[%mul3A_2] : memref<2048xi32, #tpu.memory_space<hbm>> -> memref<64xi32, #tpu.memory_space<hbm>>
      %dma_wait3A_78 = tpu.memref_slice %arg3[%mul3A_2] : memref<2048xi32, #tpu.memory_space<hbm>> -> memref<64xi32, #tpu.memory_space<hbm>>
      tpu.wait_dma2 semaphore(%run_scoped3A : memref<!tpu.dma_semaphore, #tpu.memory_space<semaphore_mem>>) src(%dma_wait3A_78 : memref<64xi32, #tpu.memory_space<hbm>>) dst(%arg5 : memref<64xi32, #tpu.memory_space<vmem>>)
      tpu.yield
    }) : () -> ()
    %iota3A = tpu.iota {dimensions = array<i32: 0>} : vector<16xi32>
    %add3A_3 = arith.constant 0 : i32
    %add3A_4 = arith.addi %mul3A_2, %add3A_3 : i32
    %add3A_5 = vector.broadcast %add3A_4 : i32 to vector<16xi32>
    %add3A_6 = arith.addi %iota3A, %add3A_5 : vector<16xi32>
    %mul3A_7 = arith.constant 32000 : i32
    %mul3A_8 = vector.broadcast %mul3A_7 : i32 to vector<16xi32>
    %mul3A_9 = arith.muli %add3A_6, %mul3A_8 : vector<16xi32>
    %get3A = arith.constant 0 : index
    %get3A_10 = tpu.vector_load %arg5[%get3A] {strides = array<i32>} : memref<64xi32, #tpu.memory_space<vmem>>, vector<16xi32>,
    %add3A_11 = arith.addi %mul3A_9, %get3A_10 : vector<16xi32>
    %dma_start3A = arith.constant 0 : i32
    %dma_start3A_12 = tpu.memref_slice %arg6[%dma_start3A] : memref<64xf32, #tpu.memory_space<vmem>> -> memref<16xf32, #tpu.memory_space<vmem>>
    %dma_start3A_13 = arith.constant 0 : i32
    %dma_start3A_14 = tpu.memref_slice %arg2[%dma_start3A_13] : memref<65536000xf32, #tpu.memory_space<hbm>> -> memref<65536000xf32, #tpu.memory_space<hbm>>
    tpu.enqueue_indirect_dma source(%dma_start3A_14 : memref<65536000xf32, #tpu.memory_space<hbm>>) target(%dma_start3A_12 : memref<16xf32, #tpu.memory_space<vmem>>) offsets(%add3A_11 : vector<16xi32>) semaphore(%arg7 : memref<!tpu.dma_semaphore, #tpu.memory_space<semaphore_mem>>)
    %dma_wait3A = arith.constant 0 : i32
    %dma_wait3A_15 = tpu.memref_slice %arg6[%dma_wait3A] : memref<64xf32, #tpu.memory_space<vmem>> -> memref<16xf32, #tpu.memory_space<vmem>>
    %dma_wait3A_16 = arith.constant 0 : i32
    %dma_wait3A_17 = tpu.memref_slice %arg2[%dma_wait3A_16] : memref<65536000xf32, #tpu.memory_space<hbm>> -> memref<65536000xf32, #tpu.memory_space<hbm>>
    tpu.wait_indirect_dma semaphore(%arg7 : memref<!tpu.dma_semaphore, #tpu.memory_space<semaphore_mem>>) src(%dma_wait3A_17 : memref<65536000xf32, #tpu.memory_space<hbm>>) dst(%dma_wait3A_15 : memref<16xf32, #tpu.memory_space<vmem>>)
    %iota3A_18 = tpu.iota {dimensions = array<i32: 0>} : vector<16xi32>
    %add3A_19 = arith.constant 16 : i32
    %add3A_20 = arith.addi %mul3A_2, %add3A_19 : i32
    %add3A_21 = vector.broadcast %add3A_20 : i32 to vector<16xi32>
    %add3A_22 = arith.addi %iota3A_18, %add3A_21 : vector<16xi32>
    %mul3A_23 = arith.constant 32000 : i32
    %mul3A_24 = vector.broadcast %mul3A_23 : i32 to vector<16xi32>
    %mul3A_25 = arith.muli %add3A_22, %mul3A_24 : vector<16xi32>
    %get3A_26 = arith.constant 16 : index
    %get3A_27 = tpu.vector_load %arg5[%get3A_26] {strides = array<i32>} : memref<64xi32, #tpu.memory_space<vmem>>, vector<16xi32>,
    %add3A_28 = arith.addi %mul3A_25, %get3A_27 : vector<16xi32>
    %dma_start3A_29 = arith.constant 16 : i32
    %dma_start3A_30 = tpu.memref_slice %arg6[%dma_start3A_29] : memref<64xf32, #tpu.memory_space<vmem>> -> memref<16xf32, #tpu.memory_space<vmem>>
    %dma_start3A_31 = arith.constant 0 : i32
    %dma_start3A_32 = tpu.memref_slice %arg2[%dma_start3A_31] : memref<65536000xf32, #tpu.memory_space<hbm>> -> memref<65536000xf32, #tpu.memory_space<hbm>>
    tpu.enqueue_indirect_dma source(%dma_start3A_32 : memref<65536000xf32, #tpu.memory_space<hbm>>) target(%dma_start3A_30 : memref<16xf32, #tpu.memory_space<vmem>>) offsets(%add3A_28 : vector<16xi32>) semaphore(%arg7 : memref<!tpu.dma_semaphore, #tpu.memory_space<semaphore_mem>>)
    %dma_wait3A_33 = arith.constant 16 : i32
    %dma_wait3A_34 = tpu.memref_slice %arg6[%dma_wait3A_33] : memref<64xf32, #tpu.memory_space<vmem>> -> memref<16xf32, #tpu.memory_space<vmem>>
    %dma_wait3A_35 = arith.constant 0 : i32
    %dma_wait3A_36 = tpu.memref_slice %arg2[%dma_wait3A_35] : memref<65536000xf32, #tpu.memory_space<hbm>> -> memref<65536000xf32, #tpu.memory_space<hbm>>
    tpu.wait_indirect_dma semaphore(%arg7 : memref<!tpu.dma_semaphore, #tpu.memory_space<semaphore_mem>>) src(%dma_wait3A_36 : memref<65536000xf32, #tpu.memory_space<hbm>>) dst(%dma_wait3A_34 : memref<16xf32, #tpu.memory_space<vmem>>)
    %iota3A_37 = tpu.iota {dimensions = array<i32: 0>} : vector<16xi32>
    %add3A_38 = arith.constant 32 : i32
    %add3A_39 = arith.addi %mul3A_2, %add3A_38 : i32
    %add3A_40 = vector.broadcast %add3A_39 : i32 to vector<16xi32>
    %add3A_41 = arith.addi %iota3A_37, %add3A_40 : vector<16xi32>
    %mul3A_42 = arith.constant 32000 : i32
    %mul3A_43 = vector.broadcast %mul3A_42 : i32 to vector<16xi32>
    %mul3A_44 = arith.muli %add3A_41, %mul3A_43 : vector<16xi32>
    %get3A_45 = arith.constant 32 : index
    %get3A_46 = tpu.vector_load %arg5[%get3A_45] {strides = array<i32>} : memref<64xi32, #tpu.memory_space<vmem>>, vector<16xi32>,
    %add3A_47 = arith.addi %mul3A_44, %get3A_46 : vector<16xi32>
    %dma_start3A_48 = arith.constant 32 : i32
    %dma_start3A_49 = tpu.memref_slice %arg6[%dma_start3A_48] : memref<64xf32, #tpu.memory_space<vmem>> -> memref<16xf32, #tpu.memory_space<vmem>>
    %dma_start3A_50 = arith.constant 0 : i32
    %dma_start3A_51 = tpu.memref_slice %arg2[%dma_start3A_50] : memref<65536000xf32, #tpu.memory_space<hbm>> -> memref<65536000xf32, #tpu.memory_space<hbm>>
    tpu.enqueue_indirect_dma source(%dma_start3A_51 : memref<65536000xf32, #tpu.memory_space<hbm>>) target(%dma_start3A_49 : memref<16xf32, #tpu.memory_space<vmem>>) offsets(%add3A_47 : vector<16xi32>) semaphore(%arg7 : memref<!tpu.dma_semaphore, #tpu.memory_space<semaphore_mem>>)
    %dma_wait3A_52 = arith.constant 32 : i32
    %dma_wait3A_53 = tpu.memref_slice %arg6[%dma_wait3A_52] : memref<64xf32, #tpu.memory_space<vmem>> -> memref<16xf32, #tpu.memory_space<vmem>>
    %dma_wait3A_54 = arith.constant 0 : i32
    %dma_wait3A_55 = tpu.memref_slice %arg2[%dma_wait3A_54] : memref<65536000xf32, #tpu.memory_space<hbm>> -> memref<65536000xf32, #tpu.memory_space<hbm>>
    tpu.wait_indirect_dma semaphore(%arg7 : memref<!tpu.dma_semaphore, #tpu.memory_space<semaphore_mem>>) src(%dma_wait3A_55 : memref<65536000xf32, #tpu.memory_space<hbm>>) dst(%dma_wait3A_53 : memref<16xf32, #tpu.memory_space<vmem>>)
    %iota3A_56 = tpu.iota {dimensions = array<i32: 0>} : vector<16xi32>
    %add3A_57 = arith.constant 48 : i32
    %add3A_58 = arith.addi %mul3A_2, %add3A_57 : i32
    %add3A_59 = vector.broadcast %add3A_58 : i32 to vector<16xi32>
    %add3A_60 = arith.addi %iota3A_56, %add3A_59 : vector<16xi32>
    %mul3A_61 = arith.constant 32000 : i32
    %mul3A_62 = vector.broadcast %mul3A_61 : i32 to vector<16xi32>
    %mul3A_63 = arith.muli %add3A_60, %mul3A_62 : vector<16xi32>
    %get3A_64 = arith.constant 48 : index
    %get3A_65 = tpu.vector_load %arg5[%get3A_64] {strides = array<i32>} : memref<64xi32, #tpu.memory_space<vmem>>, vector<16xi32>,
    %add3A_66 = arith.addi %mul3A_63, %get3A_65 : vector<16xi32>
    %dma_start3A_67 = arith.constant 48 : i32
    %dma_start3A_68 = tpu.memref_slice %arg6[%dma_start3A_67] : memref<64xf32, #tpu.memory_space<vmem>> -> memref<16xf32, #tpu.memory_space<vmem>>
    %dma_start3A_69 = arith.constant 0 : i32
    %dma_start3A_70 = tpu.memref_slice %arg2[%dma_start3A_69] : memref<65536000xf32, #tpu.memory_space<hbm>> -> memref<65536000xf32, #tpu.memory_space<hbm>>
    tpu.enqueue_indirect_dma source(%dma_start3A_70 : memref<65536000xf32, #tpu.memory_space<hbm>>) target(%dma_start3A_68 : memref<16xf32, #tpu.memory_space<vmem>>) offsets(%add3A_66 : vector<16xi32>) semaphore(%arg7 : memref<!tpu.dma_semaphore, #tpu.memory_space<semaphore_mem>>)
    %dma_wait3A_71 = arith.constant 48 : i32
    %dma_wait3A_72 = tpu.memref_slice %arg6[%dma_wait3A_71] : memref<64xf32, #tpu.memory_space<vmem>> -> memref<16xf32, #tpu.memory_space<vmem>>
    %dma_wait3A_73 = arith.constant 0 : i32
    %dma_wait3A_74 = tpu.memref_slice %arg2[%dma_wait3A_73] : memref<65536000xf32, #tpu.memory_space<hbm>> -> memref<65536000xf32, #tpu.memory_space<hbm>>
    tpu.wait_indirect_dma semaphore(%arg7 : memref<!tpu.dma_semaphore, #tpu.memory_space<semaphore_mem>>) src(%dma_wait3A_74 : memref<65536000xf32, #tpu.memory_space<hbm>>) dst(%dma_wait3A_72 : memref<16xf32, #tpu.memory_space<vmem>>)
    "tpu.region"() ({
      %run_scoped3A = tpu.sem_alloc : memref<!tpu.dma_semaphore, #tpu.memory_space<semaphore_mem>>
      %dma_start3A_75 = tpu.memref_slice %arg4[%mul3A_2] : memref<2048xf32, #tpu.memory_space<hbm>> -> memref<64xf32, #tpu.memory_space<hbm>>
      %dma_start3A_76 = tpu.memref_slice %arg4[%mul3A_2] : memref<2048xf32, #tpu.memory_space<hbm>> -> memref<64xf32, #tpu.memory_space<hbm>>
      tpu.enqueue_dma source(%arg6 : memref<64xf32, #tpu.memory_space<vmem>>) target(%dma_start3A_76 : memref<64xf32, #tpu.memory_space<hbm>>) target_semaphore(%run_scoped3A : memref<!tpu.dma_semaphore, #tpu.memory_space<semaphore_mem>>)
      %dma_wait3A_77 = tpu.memref_slice %arg4[%mul3A_2] : memref<2048xf32, #tpu.memory_space<hbm>> -> memref<64xf32, #tpu.memory_space<hbm>>
      %dma_wait3A_78 = tpu.memref_slice %arg4[%mul3A_2] : memref<2048xf32, #tpu.memory_space<hbm>> -> memref<64xf32, #tpu.memory_space<hbm>>
      tpu.wait_dma2 semaphore(%run_scoped3A : memref<!tpu.dma_semaphore, #tpu.memory_space<semaphore_mem>>) src(%arg6 : memref<64xf32, #tpu.memory_space<vmem>>) dst(%dma_wait3A_78 : memref<64xf32, #tpu.memory_space<hbm>>)
      tpu.yield
    }) : () -> ()
    return
  }
}

module attributes {stable_mosaic.version = 14 : i64} {
  func.func @_tc_body(%arg0: i32, %arg1: memref<256x32000xf32, #tpu.memory_space<vmem>>, %arg2: memref<1x1x256xi32, #tpu.memory_space<vmem>>, %arg3: memref<1x1x256xf32, #tpu.memory_space<vmem>>, %arg4: memref<1x1xf32, #tpu.memory_space<vmem>>) attributes {dimension_semantics = [#tpu.dimension_semantics<arbitrary>], iteration_bounds = array<i64: 8>, scalar_prefetch = 0 : i64, scratch_operands = 0 : i64, tpu.core_type = #tpu.core_type<tc>, window_params = [{transform_indices = @transform_0, window_bounds = array<i64: 256, 32000>}, {transform_indices = @transform_1, window_bounds = array<i64: 1, 1, 256>}, {transform_indices = @transform_2, window_bounds = array<i64: 1, 1, 256>}, {pipeline_mode = #tpu.pipeline_mode<synchronous>, transform_indices = @transform_3, window_bounds = array<i64: 1, 1>}]} {
    %get3A = arith.constant 0 : index
    %get3A_0 = arith.constant 0 : index
    %get3A_1 = arith.constant 0 : index
    %get3A_2 = vector.load %arg2[%get3A, %get3A_0, %get3A_1] : memref<1x1x256xi32, #tpu.memory_space<vmem>>, vector<1x1x256xi32>
    %get3A_3 = vector.shape_cast %get3A_2 : vector<1x1x256xi32> to vector<256xi32>
    %reshape3A = vector.shape_cast %get3A_3 : vector<256xi32> to vector<256x1xi32>
    %get3A_4 = arith.constant 0 : index
    %get3A_5 = arith.constant 0 : index
    %get3A_6 = arith.constant 0 : index
    %get3A_7 = vector.load %arg3[%get3A_4, %get3A_5, %get3A_6] : memref<1x1x256xf32, #tpu.memory_space<vmem>>, vector<1x1x256xf32>
    %get3A_8 = vector.shape_cast %get3A_7 : vector<1x1x256xf32> to vector<256xf32>
    %reshape3A_9 = vector.shape_cast %get3A_8 : vector<256xf32> to vector<256x1xf32>
    %get3A_10 = arith.constant 0 : index
    %get3A_11 = arith.constant 0 : index
    %get3A_12 = vector.load %arg1[%get3A_10, %get3A_11] : memref<256x32000xf32, #tpu.memory_space<vmem>>, vector<256x32000xf32>
    %sub3A = arith.constant 3.000000e+01 : f32
    %sub3A_13 = vector.broadcast %sub3A : f32 to vector<256x32000xf32>
    %sub3A_14 = arith.subf %get3A_12, %sub3A_13 : vector<256x32000xf32>
    %exp3A = math.exp %sub3A_14 : vector<256x32000xf32>
    %reduce_sum3A = arith.constant dense<0.000000e+00> : vector<256xf32>
    %reduce_sum3A_15 = vector.multi_reduction <add>, %exp3A, %reduce_sum3A [1] : vector<256x32000xf32> to vector<256xf32>
    %broadcast_in_dim3A = vector.shape_cast %reduce_sum3A_15 : vector<256xf32> to vector<256x1xf32>
    %get3A_16 = arith.constant 0 : index
    %get3A_17 = arith.constant 0 : index
    %get3A_18 = vector.load %arg1[%get3A_16, %get3A_17] : memref<256x32000xf32, #tpu.memory_space<vmem>>, vector<256x32000xf32>
    %reduce_sum3A_19 = arith.constant dense<0.000000e+00> : vector<256xf32>
    %reduce_sum3A_20 = vector.multi_reduction <add>, %get3A_18, %reduce_sum3A_19 [1] : vector<256x32000xf32> to vector<256xf32>
    %broadcast_in_dim3A_21 = vector.shape_cast %reduce_sum3A_20 : vector<256xf32> to vector<256x1xf32>
    %log3A = math.log %broadcast_in_dim3A : vector<256x1xf32>
    %add3A = arith.constant 3.000000e+01 : f32
    %add3A_22 = vector.broadcast %add3A : f32 to vector<256x1xf32>
    %add3A_23 = arith.addf %add3A_22, %log3A : vector<256x1xf32>
    %mul3A = arith.constant 3.200000e+04 : f32
    %mul3A_24 = vector.broadcast %mul3A : f32 to vector<256x1xf32>
    %mul3A_25 = arith.mulf %mul3A_24, %add3A_23 : vector<256x1xf32>
    %sub3A_26 = arith.subf %broadcast_in_dim3A_21, %mul3A_25 : vector<256x1xf32>
    %sub3A_27 = arith.subf %reshape3A_9, %add3A_23 : vector<256x1xf32>
    %eq3A = arith.constant 0 : i32
    %eq3A_28 = vector.broadcast %eq3A : i32 to vector<256x1xi32>
    %eq3A_29 = arith.cmpi eq, %reshape3A, %eq3A_28 : vector<256x1xi32>
    %mul3A_30 = arith.constant 3.125000e-05 : f32
    %mul3A_31 = vector.broadcast %mul3A_30 : f32 to vector<256x1xf32>
    %mul3A_32 = arith.mulf %sub3A_26, %mul3A_31 : vector<256x1xf32>
    %sub3A_33 = arith.constant -10.3734913 : f32
    %sub3A_34 = vector.broadcast %sub3A_33 : f32 to vector<256x1xf32>
    %sub3A_35 = arith.subf %sub3A_34, %mul3A_32 : vector<256x1xf32>
    %mul3A_36 = arith.constant 3.12485754E-5 : f32
    %mul3A_37 = vector.broadcast %mul3A_36 : f32 to vector<256x1xf32>
    %mul3A_38 = arith.mulf %mul3A_37, %sub3A_26 : vector<256x1xf32>
    %sub3A_39 = arith.constant -10.3734674 : f32
    %sub3A_40 = vector.broadcast %sub3A_39 : f32 to vector<256x1xf32>
    %sub3A_41 = arith.subf %sub3A_40, %mul3A_38 : vector<256x1xf32>
    %mul3A_42 = arith.constant 4.56102753E-5 : f32
    %mul3A_43 = vector.broadcast %mul3A_42 : f32 to vector<256x1xf32>
    %mul3A_44 = arith.mulf %mul3A_43, %sub3A_27 : vector<256x1xf32>
    %sub3A_45 = arith.subf %sub3A_41, %mul3A_44 : vector<256x1xf32>
    %select_n3A = arith.select %eq3A_29, %sub3A_35, %sub3A_45 : vector<256x1xi1>, vector<256x1xf32>
    %reduce_sum3A_46 = vector.shape_cast %select_n3A : vector<256x1xf32> to vector<1x256x1xf32>
    %reduce_sum3A_47 = arith.constant dense<0.000000e+00> : vector<1xf32>
    %reduce_sum3A_48 = vector.multi_reduction <add>, %reduce_sum3A_46, %reduce_sum3A_47 [1, 2] : vector<1x256x1xf32> to vector<1xf32>
    %reduce_sum3A_49 = vector.shape_cast %reduce_sum3A_48 : vector<1xf32> to vector<1x1x1xf32>
    %reduce_sum3A_50 = vector.extract %reduce_sum3A_49[0, 0, 0] : f32 from vector<1x1x1xf32>
    %broadcast_in_dim3A_51 = vector.broadcast %reduce_sum3A_50 : f32 to vector<1x1xf32>
    %eq3A_52 = arith.constant 0 : i32
    %eq3A_53 = arith.cmpi eq, %arg0, %eq3A_52 : i32
    %convert_element_type3A = arith.extui %eq3A_53 : i1 to i32
    %cond3A = arith.constant 0 : i32
    %cond3A_54 = arith.cmpi ne, %convert_element_type3A, %cond3A : i32
    scf.if %cond3A_54 {
      %swap3A = arith.constant 0 : index
      %swap3A_59 = arith.constant 0 : index
      %swap3A_60 = vector.load %arg4[%swap3A, %swap3A_59] : memref<1x1xf32, #tpu.memory_space<vmem>>, vector<1x1xf32>
      tpu.vector_store %arg4[%swap3A, %swap3A_59], %broadcast_in_dim3A_51 {strides = array<i32>} : memref<1x1xf32, #tpu.memory_space<vmem>>, vector<1x1xf32>,
    } else {
    }
    %ne3A = arith.constant 0 : i32
    %ne3A_55 = arith.cmpi ne, %arg0, %ne3A : i32
    %convert_element_type3A_56 = arith.extui %ne3A_55 : i1 to i32
    %cond3A_57 = arith.constant 0 : i32
    %cond3A_58 = arith.cmpi ne, %convert_element_type3A_56, %cond3A_57 : i32
    scf.if %cond3A_58 {
      %get3A_59 = arith.constant 0 : index
      %get3A_60 = arith.constant 0 : index
      %get3A_61 = vector.load %arg4[%get3A_59, %get3A_60] : memref<1x1xf32, #tpu.memory_space<vmem>>, vector<1x1xf32>
      %add3A_62 = arith.addf %get3A_61, %broadcast_in_dim3A_51 : vector<1x1xf32>
      %swap3A = arith.constant 0 : index
      %swap3A_63 = arith.constant 0 : index
      %swap3A_64 = vector.load %arg4[%swap3A, %swap3A_63] : memref<1x1xf32, #tpu.memory_space<vmem>>, vector<1x1xf32>
      tpu.vector_store %arg4[%swap3A, %swap3A_63], %add3A_62 {strides = array<i32>} : memref<1x1xf32, #tpu.memory_space<vmem>>, vector<1x1xf32>,
    } else {
    }
    return
  }
  func.func @transform_0(%arg0: i32) -> (i32, i32) {
    %c0_i32 = arith.constant 0 : i32
    %c0_i32_0 = arith.constant 0 : i32
    return %arg0, %c0_i32 : i32, i32
  }
  func.func @transform_1(%arg0: i32) -> (i32, i32, i32) {
    %c0_i32 = arith.constant 0 : i32
    %c0_i32_0 = arith.constant 0 : i32
    %c0_i32_1 = arith.constant 0 : i32
    return %arg0, %c0_i32, %c0_i32_0 : i32, i32, i32
  }
  func.func @transform_2(%arg0: i32) -> (i32, i32, i32) {
    %c0_i32 = arith.constant 0 : i32
    %c0_i32_0 = arith.constant 0 : i32
    %c0_i32_1 = arith.constant 0 : i32
    return %arg0, %c0_i32, %c0_i32_0 : i32, i32, i32
  }
  func.func @transform_3(%arg0: i32) -> (i32, i32) {
    %c0_i32 = arith.constant 0 : i32
    %c0_i32_0 = arith.constant 0 : i32
    %c0_i32_1 = arith.constant 0 : i32
    return %c0_i32, %c0_i32_0 : i32, i32
  }
}

</mosaic_0001>

<sc_bundles>
// kernel: kernel.4.cloned.1.call-start
scs
__scs_entry_jumppad:
0x0: {  	(pc) =	sbr.rel $0x88, $3  }
0x1: {  	(tag) =	ssettag $0x0;
	lr =	simm.s32 $0x1  }
0x2: {  	[smem:$0x3F9E] =	sst lr;
	_ =	strace $0xD0000000  }
0x3: {  	_ = 	snop  }
0x4: {  	_ = 	snop  }
0x5: {  	_ = 	snop  }
0x6: {  	_ = 	snop  }
0x7: {  	_ = 	snop  }
__scs_overlays_trampoline_lowered:
0x8: {  	[smem:$0x3FAD] =	sst s0  }
0x9: {  	[smem:$0x3FAE] =	sst s1  }
0xa: {  	[smem:$0x3FAF] =	sst s2  }
0xb: {  	[smem:$0x3FB0] =	sst s3  }
0xc: {  	[smem:$0x3FB1] =	sst s4  }
0xd: {  	[smem:$0x3FB2] =	sst s5  }
0xe: {  	[smem:$0x3FB3] =	sst s6  }
0xf: {  	[smem:$0x3FB4] =	sst s7  }
0x10: {  	[smem:$0x3FB5] =	sst s8  }
0x11: {  	[smem:$0x3FB6] =	sst s9;
	s0 =	simm.s32 @!p0 $0x0  }
0x12: {  	s1 =	sld [smem:$0x3F9C];
	s0 =	simm.s32 @p0 $0x1  }
0x13: {  	[smem:$0x3FB7] =	sst s0;
	s0 =	simm.s32 @!p1 $0x0  }
0x14: {  	s2 =	sld [smem:$0x3F9B];
	s0 =	simm.s32 @p1 $0x1  }
0x15: {  	[smem:$0x3FB8] =	sst s0;
	s0 =	simm.s32 @!p2 $0x0  }
0x16: {  	s3 =	sld [smem:$0x3FDB];
	s0 =	simm.s32 @p2 $0x1  }
0x17: {  	s4 =	simm.s32 $0x1BF5;
	[smem:$0x3FBA] =	sst s0  }
0x18: {  	s0 =	sld [smem:$0x3F9D];
	_ =	swait.ge [sflag:s4], $0x0  }
0x19: {  	s7 =	sld [smem:$0x3F9E]  }
0x1a: {  	s8 =	sadd.s32 $0xFFFFE003, lr  }
0x1b: {  	s9 =	sadd.s32 $0xFFFFFEF7, lr;
	s5 =	simm.s32 $0xFFFFFFFF;
	p2 =	slt.u32 s8, $0xFFFFF086  }
0x1c: {  	p1 =	slt.u32 s9, $0xF7A;
	s5 =	simm.s32 @!p2 $0x0  }
0x1d: {  	s5 =	simm.s32 @p1 $0x1;
	p0 =	seq.s32 s7, s2  }
0x1e: {  	s7 =	smul.u32 @!p0 $0xF7A, s2;
	p2 =	seq.s32 @!p0 s5, $0x0  }
0x1f: {  	s9 =	smul.u32 $0xF7A, s1;
	s8 =	simm.s32 @!p0 $0x1BF5;
	p2 =	por !p2, p0  }
0x20: {  	[sflag:s8] =	ssyncset.s32 @!p0 $0xFFFFF086;
	s6 =	sadd.s32 @!p0 s3, s7;
	s7 =	simm.s32 @!p0 $0x108  }
0x21: {  	s3 =	sadd.s32 s3, s9;
	s6 =	sadd.s32 @!p0 $0x88, s6;
	s7 =	simm.s32 @p2 $0x1082  }
0x22: {  	[simem:s7], [sflag:s8] =	dma.local @!p0 [hbm:s6], $0xF7A  }
0x23: {  	s9 =	sor.u32 $0xD0000000, s2;
	s6 =	simm.s32 $0x108;
	_ =	swait.ge @!p0 [sflag:s8], $0x0  }
0x24: {  	s3 =	sadd.s32 $0x88, s3;
	s6 =	simm.s32 @!p1 $0x1082;
	[sflag:s4] =	ssyncset.s32 $0xFFFFF086  }
0x25: {  	[simem:s6], [sflag:s4] =	dma.local [hbm:s3], $0xF7A  }
0x26: {  	[smem:$0x3F9E] =	sst s1;
	(tag) =	ssettag s2;
	_ =	strace s9  }
0x27: {  	s1 =	sld [smem:$0x3FAE]  }
0x28: {  	s2 =	sld [smem:$0x3FAF]  }
0x29: {  	s4 =	sld [smem:$0x3FB1]  }
0x2a: {  	p0 =	seq.s32 s5, $0x0;
	s5 =	sld [smem:$0x3FB2]  }
0x2b: {  	s6 =	sld [smem:$0x3FB3]  }
0x2c: {  	s7 =	sld [smem:$0x3FB4]  }
0x2d: {  	s3 =	simm.s32 $0x108;
	s8 =	sld [smem:$0x3FB5]  }
0x2e: {  	s3 =	simm.s32 @!p0 $0x1082;
	s9 =	sld [smem:$0x3FB6]  }
0x2f: {  	lr =	sadd.s32 s0, s3;
	s0 =	sld [smem:$0x3FAD]  }
0x30: {  	s3 =	sld [smem:$0x3FB0]  }
0x31: {  	[smem:$0x3FB9] =	sst s10  }
0x32: {  	s10 =	sld [smem:$0x3FB7];
	_ =	sdelay $0x3  }
0x33: {  	p0 =	seq.s32 s10, $0x1;
	s10 =	sld [smem:$0x3FB9];
	_ =	sdelay $0x3  }
0x34: {  	[smem:$0x3FB9] =	sst s10  }
0x35: {  	s10 =	sld [smem:$0x3FB8];
	_ =	sdelay $0x3  }
0x36: {  	p1 =	seq.s32 s10, $0x1;
	s10 =	sld [smem:$0x3FB9];
	_ =	sdelay $0x3  }
0x37: {  	[smem:$0x3FB9] =	sst s10  }
0x38: {  	s10 =	sld [smem:$0x3FBA]  }
0x39: {  	_ = 	snop;
	(pc) =	sbr.ind lr, $3  }
0x3a: {  	_ = 	snop  }
0x3b: {  	_ = 	snop  }
0x3c: {  	p2 =	seq.s32 s10, $0x1;
	s10 =	sld [smem:$0x3FB9]  }
0x3d: {  	_ =	shalt  }
0x3e: {  	_ =	shalt  }
0x3f: {  	_ =	shalt  }
0x40: {  	_ =	shalt  }
0x41: {  	_ =	shalt  }
0x42: {  	_ =	shalt  }
0x43: {  	_ =	shalt  }
0x44: {  	_ =	shalt  }
0x45: {  	_ =	shalt  }
0x46: {  	_ =	shalt  }
0x47: {  	_ =	shalt  }
0x48: {  	_ =	shalt  }
0x49: {  	_ =	shalt  }
0x4a: {  	_ =	shalt  }
0x4b: {  	_ =	shalt  }
0x4c: {  	_ =	shalt  }
0x4d: {  	_ =	shalt  }
0x4e: {  	_ =	shalt  }
0x4f: {  	_ =	shalt  }
0x50: {  	_ =	shalt  }
0x51: {  	_ =	shalt  }
0x52: {  	_ =	shalt  }
0x53: {  	_ =	shalt  }
0x54: {  	_ =	shalt  }
0x55: {  	_ =	shalt  }
0x56: {  	_ =	shalt  }
0x57: {  	_ =	shalt  }
0x58: {  	_ =	shalt  }
0x59: {  	_ =	shalt  }
0x5a: {  	_ =	shalt  }
0x5b: {  	_ =	shalt  }
0x5c: {  	_ =	shalt  }
0x5d: {  	_ =	shalt  }
0x5e: {  	_ =	shalt  }
0x5f: {  	_ =	shalt  }
0x60: {  	_ =	shalt  }
0x61: {  	_ =	shalt  }
0x62: {  	_ =	shalt  }
0x63: {  	_ =	shalt  }
0x64: {  	_ =	shalt  }
0x65: {  	_ =	shalt  }
0x66: {  	_ =	shalt  }
0x67: {  	_ =	shalt  }
0x68: {  	_ =	shalt  }
0x69: {  	_ =	shalt  }
0x6a: {  	_ =	shalt  }
0x6b: {  	_ =	shalt  }
0x6c: {  	_ =	shalt  }
0x6d: {  	_ =	shalt  }
0x6e: {  	_ =	shalt  }
0x6f: {  	_ =	shalt  }
0x70: {  	_ =	shalt  }
0x71: {  	_ =	shalt  }
0x72: {  	_ =	shalt  }
0x73: {  	_ =	shalt  }
0x74: {  	_ =	shalt  }
0x75: {  	_ =	shalt  }
0x76: {  	_ =	shalt  }
0x77: {  	_ =	shalt  }
0x78: {  	_ =	shalt  }
0x79: {  	_ =	shalt  }
0x7a: {  	_ =	shalt  }
0x7b: {  	_ =	shalt  }
0x7c: {  	_ =	shalt  }
0x7d: {  	_ =	shalt  }
0x7e: {  	_ =	shalt  }
0x7f: {  	_ =	shalt  }
0x80: {  	_ =	shalt  }
0x81: {  	_ =	shalt  }
0x82: {  	_ =	shalt  }
0x83: {  	_ =	shalt  }
0x84: {  	_ =	shalt  }
0x85: {  	_ =	shalt  }
0x86: {  	_ =	shalt  }
0x87: {  	_ =	shalt  }
.Lfunc_end0:
.L_simem_size_0:
called_computation_lowered:
.L_overlay_start_0:
0x88: {  	s2 =	sld [smem:$0x3FD9]  }
0x89: {  	s3 =	sld [smem:$0x3FFE];
	_ =	sdelay $0x1  }
0x8a: {  	s1 =	srdreg.scid  }
0x8b: {  	s0 =	sand.u32 $0x1, s1  }
0x8c: {  	s17 =	sshll.u32 s0, $0xA;
	s2 =	sadd.s32 s3, s2  }
0x8d: {  	s2 =	sadd.s32 s2, s17  }
0x8e: {  	[smem:$0x3FC5] =	sst s2  }
0x8f: {  	_ = 	snop  }
0x90: {  	s2 =	sld [smem:$0x3FC8];
	(tm) =	ssettm $0x1  }
0x91: {  	s18 =	sld [smem:$0x3FFB];
	_ =	sdelay $0x3  }
0x92: {  	_ =	strace s18  }
0x93: {  	s3 =	sld [smem:$0x3FFC];
	_ =	sdelay $0x3  }
0x94: {  	_ =	strace s3  }
0x95: {  	s3 =	sld [smem:$0x3FFD];
	_ =	sdelay $0x3  }
0x96: {  	_ =	strace s3  }
0x97: {  	_ =	strace $0x8FFFFFFF  }
0x98: {  	s19 =	sld [smem:$0x3FDB];
	_ =	sdelay $0x1  }
0x99: {  	s4 =	simm.s32 $_scs_section_size  }
0x9a: {  	s5 =	simm.s32 $_size__tile_overlayer_lowered;
	s6 =	simm.s32 $_tile_overlayer_lowered  }
0x9b: {  	s22 =	simm.s32 $0x1BFF;
	s21 =	sshll.u32 s6, $0x1;
	s3 =	sadd.s32 s4, s19  }
0x9c: {  	s7 =	simm.s32 $0x0;
	s20 =	sshll.u32 s5, $0x1;
	s5 =	sadd.s32 s21, s3  }
0x9d: {  	[timem:s7], [sflag:s22] =	dma.local [hbm:s5], s20  }
0x9e: {  	_ =	swait.ge [sflag:s22], s20  }
0x9f: {  	s4 =	ssub.s32 $0x0, s20;
	[sflag:s22] =	ssyncset.done $0x0  }
0xa0: {  	[sflag:s22] =	ssyncadd.s32 s4;
	_ =	sdelay $0x1  }
0xa1: {  	s23 =	simm.s32 $0x1B8B  }
0xa2: {  	_ =	swait.ge [sflag:s23], $0x1  }
0xa3: {  	[sflag:s23] =	ssyncset.done $0x0  }
0xa4: {  	s25 =	simm.s32 $0x1B8E;
	s24 =	sld [smem:$0x3FFE];
	[sflag:s23] =	ssyncadd.s32 $0xFFFFFFFF  }
0xa5: {  	s26 =	simm.s32 $execute0_lowered;
	[smem:$0x3FD2] =	sst s25  }
0xa6: {  	s5 =	sshll.u32 s26, $0x1;
	_ =	strace $0x80000046;
	[dreg:$0x1] =	wrdreg $0xFFFFFFFF  }
0xa7: {  	s28 =	simm.s32 $_size_execute0_lowered;
	s3 =	sadd.s32 s3, s5;
	[dreg:$0x0] =	wrdreg $0x0  }
0xa8: {  	s5 =	sshll.u32 s28, $0x1;
	[dreg:$0x2] =	wrdreg s3  }
0xa9: {  	[dreg:$0x3] =	wrdreg s5  }
0xaa: {  	[dreg:$0x4] =	wrdreg $0xC0  }
0xab: {  	_ =	task [dreg:s7], $0x5FFFF  }
0xac: {  	[dreg:$0x1] =	wrdreg $0xFFFFFFFF  }
0xad: {  	[dreg:$0x0] =	wrdreg $0x60  }
0xae: {  	[dreg:$0x2] =	wrdreg s24  }
0xaf: {  	[dreg:$0x3] =	wrdreg s2  }
0xb0: {  	[dreg:$0x4] =	wrdreg $0x9  }
0xb1: {  	_ =	task.clear_ibuf [dreg:s7], $0x5FFFF;
	_ =	strace $0x90000046  }
0xb2: {  	s29 =	simm.s32 $0x9;
	_ =	strace $0x80000048  }
0xb3: {  	_ =	swait.ge [sflag:s29], $0x1  }
0xb4: {  	[sflag:s29] =	ssyncadd.s32 $0xFFFFFFFF  }
0xb5: {  	_ =	strace $0x90000048  }
0xb6: {  	_ =	sfence  }
0xb7: {  	s30 =	sld [smem:$0x0];
	_ =	sdelay $0x2  }
0xb8: {  	s31 =	sshll.u32 s1, $0xD;
	s1 =	sshrl.u32 s1, $0x2  }
0xb9: {  	s3 =	sand.u32 $0x4000, s31;
	s1 =	sadd.s32 s1, s30  }
0xba: {  	s0 =	sor.u32 s3, s0;
	s1 =	sshll.u32 s1, $0x11  }
0xbb: {  	s0 =	sor.u32 s1, s0  }
0xbc: {  	s0 =	sadd.s32 $0x8F2B, s0  }
0xbd: {  	[sflag:s0] =	ssyncadd.remote.s32 $0x1  }
0xbe: {  	_ =	sfence.sel $0xFFFF  }
0xbf: {  	[dreg:$0x0] =	wrdreg $0xFFFFFFFF;
	(pc) =	sbr.abs _section_cstart, $3  }
0xc0: {  	[dreg:$0x1] =	wrdreg $0xFFFFFFFF  }
0xc1: {  	_ =	task.clear_ibuf [dreg:s7], $0x2FFFF;
	_ =	strace $0x9FFFFFFF  }
0xc2: {  	(tm) =	ssettm $0x7FFFFFFF  }
0xc3: {  	_ =	shalt  }
tec
execute0_lowered:
.L_overlay_start_1:
0x0: {  	(tag) =	ssettag $0x1  }
0x1: {  	s1 =	srdreg.scid  }
0x2: {  	s0 =	stileid.u32;
	s3 =	sand.u32 $0x1, s1  }
0x3: {  	s28 =	sshll.u32 s0, $0x7;
	s2 =	sshll.u32 s3, $0x6  }
0x4: {  	s4 =	rddreg [dreg:$0x0];
	s6 =	sor.u32 s2, s28  }
0x5: {  	s5 =	rddreg [dreg:$0x1];
	v0 =	vmov s6;
	s7 =	sor.u32 $0x10, s6  }
0x6: {  	s10 =	simm.s32 $0x90;
	s29 =	sor.u32 $0x20, s6;
	s8 =	sor.u32 $0x30, s6;
	v0 =	vmul.u32 $0x7D00, v0;
	v1 =	vmov s7  }
0x7: {  	s11 =	simm.s32 $0xA0;
	s12 =	simm.s32 $0xB0;
	s1 =	rddreg [dreg:$0x2];
	v2 =	vmov s29;
	v3 =	vmov s8;
	v1 =	vmul.u32 $0x7D00, v1  }
0x8: {  	v4 =	vlaneseq.u32;
	s9 =	ssub.s32 $0x2, s3;
	s3 =	sadd.s32 $0x400, s4;
	s2 =	simm.s32 $0x0;
	v2 =	vmul.u32 $0x7D00, v2;
	v3 =	vmul.u32 $0x7D00, v3  }
0x9: {  	v4 =	vmul.u32 $0x7D00, v4;
	s30 =	sshrl.u32 s9, $0x1;
	[smem:$0x7FF] =	sst s2;
	s6 =	sshrl.u32 s6, $0x3;
	v0 =	vbroadcast v0, $0x0;
	v1 =	vbroadcast v1, $0x0  }
0xa: {  	_ =	strace $0x80000047;
	s31 =	sadd.s32 s6, s4;
	s7 =	ssub.s32 s9, s30;
	v2 =	vbroadcast v2, $0x0;
	v3 =	vbroadcast v3, $0x0  }
0xb: {  	vm0 =	vmmov $0xffff;
	s4 =	sadd.s32 s5, s6;
	s8 =	simm.s32 $0x80;
	s9 =	simm.s32 $0x1;
	v0 =	vadd.s32 v4, v0  }
0xc: {  	s5 =	sadd.s32 $0x7D0400, s31;
	s6 =	smax.u32 s7, $0x1;
	s7 =	simm.s32 $0x2;
	v1 =	vadd.s32 v4, v1;
	v2 =	vadd.s32 v4, v2;
	v3 =	vadd.s32 v4, v3  }
.LBB2_1:
0xd: {  	[tilespmem:s2], [sflag:$0x2] =	stream.linear.gather [hbm4b:s4+s2], $0x40, $0x38;
	[tilespmem:$0x100] =	vst v63  }
0xe: {  	_ =	swait.ge [sflag:s7], $0x40  }
0xf: {  	[sflag:s7] =	ssyncset.done $0x0  }
0x10: {  	[sflag:s7] =	ssyncadd.s32 $0xFFFFFFC0  }
0x11: {  	v4 =	vld [tilespmem:$0x0];
	_ =	sdelay $0x4  }
0x12: {  	v4 =	vadd.s32 v4, v0;
	_ =	sdelay $0x4  }
0x13: {  	[tilespmem:s8], [sflag:$0x1] =	stream.indirect_vreg.gather [hbm4b:s3+s2], $0x1, v4, vm0, $0xb8;
	[tilespmem:$0x100] =	vst v63  }
0x14: {  	_ =	swait.ge [sflag:s9], $0x10  }
0x15: {  	[sflag:s9] =	ssyncset.done $0x0  }
0x16: {  	[sflag:s9] =	ssyncadd.s32 $0xFFFFFFF0  }
0x17: {  	v4 =	vld [tilespmem:$0x10];
	_ =	sdelay $0x4  }
0x18: {  	v4 =	vadd.s32 v4, v1;
	_ =	sdelay $0x4  }
0x19: {  	[tilespmem:s10], [sflag:$0x1] =	stream.indirect_vreg.gather [hbm4b:s3+s2], $0x1, v4, vm0, $0xb8;
	[tilespmem:$0x100] =	vst v63  }
0x1a: {  	_ =	swait.ge [sflag:s9], $0x10  }
0x1b: {  	[sflag:s9] =	ssyncset.done $0x0  }
0x1c: {  	[sflag:s9] =	ssyncadd.s32 $0xFFFFFFF0  }
0x1d: {  	v4 =	vld [tilespmem:$0x20];
	_ =	sdelay $0x4  }
0x1e: {  	v4 =	vadd.s32 v4, v2;
	_ =	sdelay $0x4  }
0x1f: {  	[tilespmem:s11], [sflag:$0x1] =	stream.indirect_vreg.gather [hbm4b:s3+s2], $0x1, v4, vm0, $0xb8;
	[tilespmem:$0x100] =	vst v63  }
0x20: {  	_ =	swait.ge [sflag:s9], $0x10  }
0x21: {  	[sflag:s9] =	ssyncset.done $0x0  }
0x22: {  	[sflag:s9] =	ssyncadd.s32 $0xFFFFFFF0  }
0x23: {  	v4 =	vld [tilespmem:$0x30];
	_ =	sdelay $0x4  }
0x24: {  	v4 =	vadd.s32 v4, v3;
	_ =	sdelay $0x4  }
0x25: {  	[tilespmem:s12], [sflag:$0x1] =	stream.indirect_vreg.gather [hbm4b:s3+s2], $0x1, v4, vm0, $0xb8;
	[tilespmem:$0x100] =	vst v63  }
0x26: {  	_ =	swait.ge [sflag:s9], $0x10  }
0x27: {  	p0 =	sne.s32 s6, $0x1;
	[sflag:s9] =	ssyncset.done $0x0  }
.Ltmp0:
0x28: {  	[sflag:s9] =	ssyncadd.s32 $0xFFFFFFF0;
	(pc) =	sbr.rel @p0 .LBB2_1-.Ltmp0, $4  }
0x29: {  	[hbm4b:s5+s2] =	stream.linear.scatter [tilespmem:s8], [sflag:$0x2], $0x40, $0x38;
	[tilespmem:$0x100] =	vst v63  }
0x2a: {  	_ =	swait.ge [sflag:s7], $0x40  }
0x2b: {  	[sflag:s7] =	ssyncset.done $0x0  }
0x2c: {  	s6 =	sadd.s32 $0xFFFFFFFF, s6;
	[sflag:s7] =	ssyncadd.s32 $0xFFFFFFC0  }
0x2d: {  	_ =	sfence.sel $0x180000  }
0x2e: {  	[bflag:$0x0] =	sbarrier.arrive $0xFFFF  }
0x2f: {  	p0 =	sne.s32 s0, $0x0;
	_ =	strace $0x90000047  }
0x30: {  	s0 =	sadd.s32 @!p0 $0x100000, s1;
	[bflag:$0x2] =	sbarrier.arrive $0xFFFF  }
0x31: {  	[sflag:s0] =	ssyncadd.tile.s32 @!p0 $0x1;
	_ =	shalt  }
.Lfunc_end2:
_tile_overlayer_lowered:
.L_overlay_start_2:
0x32: {  	(tag) =	ssettag $0x2  }
0x33: {  	s0 =	rddreg [dreg:$0x0];
	s2 =	stileid.u32  }
0x34: {  	s1 =	rddreg [dreg:$0x1];
	p0 =	sne.s32 s2, $0x0  }
0x35: {  	s3 =	rddreg [dreg:$0x2];
	[bflag:$0x3] =	sbarrier.arrive $0xFFFF;
	s2 =	simm.s32 @!p0 $0x1C02  }
0x36: {  	[timem:s3], [sflag:s2] =	dma.local @!p0 [hbm:s0], s1  }
0x37: {  	s0 =	simm.s32 @!p0 $0x2  }
0x38: {  	_ =	swait.ge @!p0 [sflag:s0], s1  }
0x39: {  	s1 =	ssub.s32 @!p0 $0x0, s1;
	[sflag:s0] =	ssyncset.done @!p0 $0x0  }
0x3a: {  	[sflag:s0] =	ssyncadd.s32 @!p0 s1  }
0x3b: {  	[bflag:$0x3] =	sbarrier.arrive $0xFFFF  }
0x3c: {  	_ =	shalt  }

</sc_bundles>
